<compile_context>
chip_gen: v7x
topology: tpu7x:2x2x1
jax: 0.10.2.dev20260603
libtpu: 0.0.44.dev20260713+nightly
codegen_flags: <defaults>
</compile_context>

<pallas_src>
import jax
import jax.numpy as jnp
from jax.experimental import pallas as pl
from jax.experimental.pallas import tpu as pltpu
from jax.experimental.pallas import tpu_sc as plsc

_VOCAB = 1000
_D = 128
_S = 64

_POS_BLK = 8


def _combine_body(pos_ref, table_ref, out_ref):
    out_ref[...] = pos_ref[...][:, None, :] + table_ref[...][None, :, :]


def _combine_tables(table, pos):
    return pl.pallas_call(
        _combine_body,
        grid=(2 * _S // _POS_BLK,),
        in_specs=[
            pl.BlockSpec((_POS_BLK, _D), lambda i: (i % (_S // _POS_BLK), 0)),
            pl.BlockSpec((_VOCAB, _D), lambda i: (0, 0)),
        ],
        out_specs=pl.BlockSpec((_POS_BLK, _VOCAB, _D), lambda i: (i, 0, 0)),
        out_shape=jax.ShapeDtypeStruct((2 * _S, _VOCAB, _D), jnp.float32),
    )(pos, table)


def _sc_gather(combined, idx):
    n = idx.shape[0]
    nc, ns = 2, 16
    nw = nc * ns
    chunk = n // nw
    w = 256
    nbuf = 2
    steps = chunk // w
    assert steps % nbuf == 0

    @pl.kernel(
        out_type=jax.ShapeDtypeStruct((n, _D), jnp.float32),
        mesh=plsc.VectorSubcoreMesh(core_axis_name="c", subcore_axis_name="s"),
        scratch_types=[
            pltpu.VMEM((chunk,), jnp.int32),
            pltpu.VMEM((nbuf, w, _D), jnp.float32),
        ] + [pltpu.SemaphoreType.DMA] * (2 * nbuf + 1),
    )
    def gather_kernel(tab_hbm, idx_hbm, o_hbm, idx_v, bufs, *sems):
        gsem = sems[:nbuf]
        wsem = sems[nbuf:2 * nbuf]
        sem_i = sems[2 * nbuf]
        wid = jax.lax.axis_index("s") * nc + jax.lax.axis_index("c")
        base = wid * chunk
        pltpu.async_copy(idx_hbm.at[pl.ds(base, chunk)], idx_v, sem_i).wait()

        def start_gather(t, b):
            pltpu.async_copy(
                tab_hbm.at[idx_v.at[pl.ds(t * w, w)]], bufs.at[b], gsem[b])

        def wait_gather(b):
            pltpu.make_async_copy(
                tab_hbm.at[pl.ds(0, w)], bufs.at[b], gsem[b]).wait()

        def start_write(t, b):
            pltpu.async_copy(
                bufs.at[b], o_hbm.at[pl.ds(base + t * w, w)], wsem[b])

        def wait_write(t, b):
            pltpu.make_async_copy(
                bufs.at[b], o_hbm.at[pl.ds(base + t * w, w)], wsem[b]).wait()

        start_gather(0, 0)
        start_gather(1, 1)

        @pl.loop(0, steps - nbuf, step=nbuf)
        def _(tt):
            for b in range(nbuf):
                t = tt + b
                wait_gather(b)
                start_write(t, b)
                wait_write(t, b)
                start_gather(t + nbuf, b)

        for b in range(nbuf):
            t = steps - nbuf + b
            wait_gather(b)
            start_write(t, b)
            wait_write(t, b)

    return gather_kernel(combined, idx)


def kernel(x, embedding_table, pos_table):
    batch, seq = x.shape
    combined = _combine_tables(embedding_table, pos_table).reshape(2 * _S * _VOCAB, _D)
    s = jnp.arange(_S, dtype=jnp.int32)
    off = s * _VOCAB + (s % 2) * (_S * _VOCAB)
    idx = x.astype(jnp.int32) + off[None, :]
    out = _sc_gather(combined, idx.reshape(batch * seq))
    return out.reshape(batch, seq, _D)

# --- scband reference (transcript-rebuilt; emitter-appended) ---
"""Pipeline reference for scband-chess-transformer-embeddings-61924838474431 (READ-ONLY COPY).

The authoritative reference and input builder live on the scoring server;
editing this copy changes nothing except your own understanding.
"""

import jax, jax.numpy as jnp
import numpy as np
import math

VOCAB_SIZE = 1000
D_MODEL = 128
SEQ_LEN = 64
BATCH = 16384


def get_sinusoidal_embeddings(d_model: int, max_len: int = 64) -> np.ndarray:
    assert max_len == 64
    position = np.array([[y, x] for y in range(8) for x in range(8)])
    embeddings = np.zeros((max_len, d_model))
    for dim in range(d_model):
        div_term = np.exp(dim // 2 * -math.log(10000.0) / (d_model // 2))
        if dim % 2 == 0:
            embeddings[:, dim] = np.sin(position[:, dim % 2] * div_term)
        else:
            embeddings[:, dim] = np.cos(position[:, dim % 2] * div_term)
    return embeddings


def setup_inputs(seed: int = 0) -> dict:
    key = jax.random.key(seed)
    k1, k2 = jax.random.split(key)
    x = jax.random.randint(k1, (BATCH, SEQ_LEN), 0, VOCAB_SIZE, dtype=jnp.int64 if jax.config.jax_enable_x64 else jnp.int32)
    embedding_table = jax.random.normal(k2, (VOCAB_SIZE, D_MODEL), dtype=jnp.float32)
    pos_table = jnp.asarray(get_sinusoidal_embeddings(D_MODEL, SEQ_LEN), dtype=jnp.float32)
    return {"x": x, "embedding_table": embedding_table, "pos_table": pos_table}


def reference(x, embedding_table, pos_table):
    # token embedding lookup: gather rows from embedding table
    tok_emb = jnp.take(embedding_table, x, axis=0)  # [B, 64, d_model]
    # positional embedding lookup with pos_ids = arange(64) -> the whole table
    pos_ids = jnp.arange(SEQ_LEN)[None, :]          # [1, 64]
    pos_emb = jnp.take(pos_table, pos_ids, axis=0)  # [1, 64, d_model]
    return tok_emb + pos_emb

if __name__ == "__main__":
    import jax
    _d = setup_inputs()
    print(jax.jit(kernel)(*tuple(_d.values())))

</pallas_src>

<mosaic_0001>
#map = affine_map<(d0, d1) -> (0, 0)>
#map1 = affine_map<(d0, d1) -> (0)>
module attributes {stable_mosaic.version = 14 : i64} {
  func.func @gather_kernel(%arg0: i32, %arg1: i32, %arg2: memref<128000x128xf32, #tpu.memory_space<hbm>>, %arg3: memref<1048576xi32, #tpu.memory_space<hbm>>, %arg4: memref<1048576x128xf32, #tpu.memory_space<hbm>>, %arg5: memref<32768xi32, #tpu.memory_space<vmem>>, %arg6: memref<2x256x128xf32, #tpu.memory_space<vmem>>, %arg7: memref<!tpu.dma_semaphore, #tpu.memory_space<semaphore_mem>>, %arg8: memref<!tpu.dma_semaphore, #tpu.memory_space<semaphore_mem>>, %arg9: memref<!tpu.dma_semaphore, #tpu.memory_space<semaphore_mem>>, %arg10: memref<!tpu.dma_semaphore, #tpu.memory_space<semaphore_mem>>, %arg11: memref<!tpu.dma_semaphore, #tpu.memory_space<semaphore_mem>>) attributes {dimension_semantics = [#tpu.dimension_semantics<core_parallel>, #tpu.dimension_semantics<subcore_parallel>], iteration_bounds = array<i64: 2, 16>, scalar_prefetch = 0 : i64, scratch_operands = 7 : i64, tpu.core_type = #tpu.core_type<sc_vector_subcore>, window_params = [{transform_indices = #map}, {transform_indices = #map1}, {transform_indices = #map}]} {
    %mul3A = arith.constant 2 : i32
    %mul3A_0 = arith.muli %arg1, %mul3A : i32
    %add3A = arith.addi %mul3A_0, %arg0 : i32
    %mul3A_1 = arith.constant 32768 : i32
    %mul3A_2 = arith.muli %add3A, %mul3A_1 : i32
    %dma_start3A = tpu.memref_slice %arg3[%mul3A_2] : memref<1048576xi32, #tpu.memory_space<hbm>> -> memref<32768xi32, #tpu.memory_space<hbm>>
    %dma_start3A_3 = tpu.memref_slice %arg3[%mul3A_2] : memref<1048576xi32, #tpu.memory_space<hbm>> -> memref<32768xi32, #tpu.memory_space<hbm>>
    tpu.enqueue_dma source(%dma_start3A_3 : memref<32768xi32, #tpu.memory_space<hbm>>) target(%arg5 : memref<32768xi32, #tpu.memory_space<vmem>>) target_semaphore(%arg11 : memref<!tpu.dma_semaphore, #tpu.memory_space<semaphore_mem>>)
    %dma_wait3A = tpu.memref_slice %arg3[%mul3A_2] : memref<1048576xi32, #tpu.memory_space<hbm>> -> memref<32768xi32, #tpu.memory_space<hbm>>
    %dma_wait3A_4 = tpu.memref_slice %arg3[%mul3A_2] : memref<1048576xi32, #tpu.memory_space<hbm>> -> memref<32768xi32, #tpu.memory_space<hbm>>
    tpu.wait_dma2 semaphore(%arg11 : memref<!tpu.dma_semaphore, #tpu.memory_space<semaphore_mem>>) src(%dma_wait3A_4 : memref<32768xi32, #tpu.memory_space<hbm>>) dst(%arg5 : memref<32768xi32, #tpu.memory_space<vmem>>)
    %dma_start3A_5 = arith.constant 0 : i32
    %dma_start3A_6 = arith.constant 0 : i32
    %dma_start3A_7 = arith.constant 0 : i32
    %dma_start3A_8 = tpu.memref_slice %arg6[%dma_start3A_5, %dma_start3A_6, %dma_start3A_7] : memref<2x256x128xf32, #tpu.memory_space<vmem>> -> memref<1x256x128xf32, #tpu.memory_space<vmem>>
    %dma_start3A_9 = tpu.memref_squeeze %dma_start3A_8 : memref<1x256x128xf32, #tpu.memory_space<vmem>> -> memref<256x128xf32, #tpu.memory_space<vmem>>
    %dma_start3A_10 = arith.constant 0 : i32
    %dma_start3A_11 = tpu.memref_slice %arg5[%dma_start3A_10] : memref<32768xi32, #tpu.memory_space<vmem>> -> memref<256xi32, #tpu.memory_space<vmem>>
    %dma_start3A_12 = arith.constant 0 : i32
    %dma_start3A_13 = arith.constant 0 : i32
    %dma_start3A_14 = tpu.memref_slice %arg2[%dma_start3A_12, %dma_start3A_13] : memref<128000x128xf32, #tpu.memory_space<hbm>> -> memref<128000x128xf32, #tpu.memory_space<hbm>>
    tpu.enqueue_indirect_dma source(%dma_start3A_14 : memref<128000x128xf32, #tpu.memory_space<hbm>>) target(%dma_start3A_9 : memref<256x128xf32, #tpu.memory_space<vmem>>) offsets(%dma_start3A_11 : memref<256xi32, #tpu.memory_space<vmem>>) semaphore(%arg7 : memref<!tpu.dma_semaphore, #tpu.memory_space<semaphore_mem>>)
    %dma_start3A_15 = arith.constant 1 : i32
    %dma_start3A_16 = arith.constant 0 : i32
    %dma_start3A_17 = arith.constant 0 : i32
    %dma_start3A_18 = tpu.memref_slice %arg6[%dma_start3A_15, %dma_start3A_16, %dma_start3A_17] : memref<2x256x128xf32, #tpu.memory_space<vmem>> -> memref<1x256x128xf32, #tpu.memory_space<vmem>>
    %dma_start3A_19 = tpu.memref_squeeze %dma_start3A_18 : memref<1x256x128xf32, #tpu.memory_space<vmem>> -> memref<256x128xf32, #tpu.memory_space<vmem>>
    %dma_start3A_20 = arith.constant 256 : i32
    %dma_start3A_21 = tpu.memref_slice %arg5[%dma_start3A_20] : memref<32768xi32, #tpu.memory_space<vmem>> -> memref<256xi32, #tpu.memory_space<vmem>>
    %dma_start3A_22 = arith.constant 0 : i32
    %dma_start3A_23 = arith.constant 0 : i32
    %dma_start3A_24 = tpu.memref_slice %arg2[%dma_start3A_22, %dma_start3A_23] : memref<128000x128xf32, #tpu.memory_space<hbm>> -> memref<128000x128xf32, #tpu.memory_space<hbm>>
    tpu.enqueue_indirect_dma source(%dma_start3A_24 : memref<128000x128xf32, #tpu.memory_space<hbm>>) target(%dma_start3A_19 : memref<256x128xf32, #tpu.memory_space<vmem>>) offsets(%dma_start3A_21 : memref<256xi32, #tpu.memory_space<vmem>>) semaphore(%arg8 : memref<!tpu.dma_semaphore, #tpu.memory_space<semaphore_mem>>)
    %scan3A = arith.constant 0 : i32
    %scan3A_25 = arith.constant 63 : i32
    %scan3A_26 = arith.addi %scan3A, %scan3A_25 : i32
    %scan3A_27 = arith.constant 1 : i32
    scf.for %scan3A_119 = %scan3A to %scan3A_26 step %scan3A_27  : i32 {
      %mul3A_120 = arith.constant 2 : i32
      %mul3A_121 = arith.muli %scan3A_119, %mul3A_120 : i32
      %add3A_122 = arith.constant 0 : i32
      %add3A_123 = arith.addi %add3A_122, %mul3A_121 : i32
      %add3A_124 = arith.constant 0 : i32
      %add3A_125 = arith.addi %add3A_123, %add3A_124 : i32
      %dma_wait3A_126 = arith.constant 0 : i32
      %dma_wait3A_127 = arith.constant 0 : i32
      %dma_wait3A_128 = arith.constant 0 : i32
      %dma_wait3A_129 = tpu.memref_slice %arg6[%dma_wait3A_126, %dma_wait3A_127, %dma_wait3A_128] : memref<2x256x128xf32, #tpu.memory_space<vmem>> -> memref<1x256x128xf32, #tpu.memory_space<vmem>>
      %dma_wait3A_130 = tpu.memref_squeeze %dma_wait3A_129 : memref<1x256x128xf32, #tpu.memory_space<vmem>> -> memref<256x128xf32, #tpu.memory_space<vmem>>
      %dma_wait3A_131 = arith.constant 0 : i32
      %dma_wait3A_132 = arith.constant 0 : i32
      %dma_wait3A_133 = tpu.memref_slice %arg2[%dma_wait3A_131, %dma_wait3A_132] : memref<128000x128xf32, #tpu.memory_space<hbm>> -> memref<256x128xf32, #tpu.memory_space<hbm>>
      %dma_wait3A_134 = arith.constant 0 : i32
      %dma_wait3A_135 = arith.constant 0 : i32
      %dma_wait3A_136 = tpu.memref_slice %arg6[%dma_wait3A_126, %dma_wait3A_134, %dma_wait3A_135] : memref<2x256x128xf32, #tpu.memory_space<vmem>> -> memref<1x256x128xf32, #tpu.memory_space<vmem>>
      %dma_wait3A_137 = tpu.memref_squeeze %dma_wait3A_136 : memref<1x256x128xf32, #tpu.memory_space<vmem>> -> memref<256x128xf32, #tpu.memory_space<vmem>>
      %dma_wait3A_138 = arith.constant 0 : i32
      %dma_wait3A_139 = arith.constant 0 : i32
      %dma_wait3A_140 = tpu.memref_slice %arg2[%dma_wait3A_138, %dma_wait3A_139] : memref<128000x128xf32, #tpu.memory_space<hbm>> -> memref<256x128xf32, #tpu.memory_space<hbm>>
      tpu.wait_dma2 semaphore(%arg7 : memref<!tpu.dma_semaphore, #tpu.memory_space<semaphore_mem>>) src(%dma_wait3A_140 : memref<256x128xf32, #tpu.memory_space<hbm>>) dst(%dma_wait3A_137 : memref<256x128xf32, #tpu.memory_space<vmem>>)
      %mul3A_141 = arith.constant 256 : i32
      %mul3A_142 = arith.muli %add3A_125, %mul3A_141 : i32
      %add3A_143 = arith.addi %mul3A_2, %mul3A_142 : i32
      %dma_start3A_144 = arith.constant 0 : i32
      %dma_start3A_145 = arith.constant 0 : i32
      %dma_start3A_146 = arith.constant 0 : i32
      %dma_start3A_147 = tpu.memref_slice %arg6[%dma_start3A_144, %dma_start3A_145, %dma_start3A_146] : memref<2x256x128xf32, #tpu.memory_space<vmem>> -> memref<1x256x128xf32, #tpu.memory_space<vmem>>
      %dma_start3A_148 = tpu.memref_squeeze %dma_start3A_147 : memref<1x256x128xf32, #tpu.memory_space<vmem>> -> memref<256x128xf32, #tpu.memory_space<vmem>>
      %dma_start3A_149 = arith.constant 0 : i32
      %dma_start3A_150 = tpu.memref_slice %arg4[%add3A_143, %dma_start3A_149] : memref<1048576x128xf32, #tpu.memory_space<hbm>> -> memref<256x128xf32, #tpu.memory_space<hbm>>
      %dma_start3A_151 = arith.constant 0 : i32
      %dma_start3A_152 = tpu.memref_slice %arg4[%add3A_143, %dma_start3A_151] : memref<1048576x128xf32, #tpu.memory_space<hbm>> -> memref<256x128xf32, #tpu.memory_space<hbm>>
      %dma_start3A_153 = arith.constant 0 : i32
      %dma_start3A_154 = arith.constant 0 : i32
      %dma_start3A_155 = tpu.memref_slice %arg6[%dma_start3A_144, %dma_start3A_153, %dma_start3A_154] : memref<2x256x128xf32, #tpu.memory_space<vmem>> -> memref<1x256x128xf32, #tpu.memory_space<vmem>>
      %dma_start3A_156 = tpu.memref_squeeze %dma_start3A_155 : memref<1x256x128xf32, #tpu.memory_space<vmem>> -> memref<256x128xf32, #tpu.memory_space<vmem>>
      tpu.enqueue_dma source(%dma_start3A_156 : memref<256x128xf32, #tpu.memory_space<vmem>>) target(%dma_start3A_152 : memref<256x128xf32, #tpu.memory_space<hbm>>) target_semaphore(%arg9 : memref<!tpu.dma_semaphore, #tpu.memory_space<semaphore_mem>>)
      %mul3A_157 = arith.constant 256 : i32
      %mul3A_158 = arith.muli %add3A_125, %mul3A_157 : i32
      %add3A_159 = arith.addi %mul3A_2, %mul3A_158 : i32
      %dma_wait3A_160 = arith.constant 0 : i32
      %dma_wait3A_161 = arith.constant 0 : i32
      %dma_wait3A_162 = arith.constant 0 : i32
      %dma_wait3A_163 = tpu.memref_slice %arg6[%dma_wait3A_160, %dma_wait3A_161, %dma_wait3A_162] : memref<2x256x128xf32, #tpu.memory_space<vmem>> -> memref<1x256x128xf32, #tpu.memory_space<vmem>>
      %dma_wait3A_164 = tpu.memref_squeeze %dma_wait3A_163 : memref<1x256x128xf32, #tpu.memory_space<vmem>> -> memref<256x128xf32, #tpu.memory_space<vmem>>
      %dma_wait3A_165 = arith.constant 0 : i32
      %dma_wait3A_166 = tpu.memref_slice %arg4[%add3A_159, %dma_wait3A_165] : memref<1048576x128xf32, #tpu.memory_space<hbm>> -> memref<256x128xf32, #tpu.memory_space<hbm>>
      %dma_wait3A_167 = arith.constant 0 : i32
      %dma_wait3A_168 = tpu.memref_slice %arg4[%add3A_159, %dma_wait3A_167] : memref<1048576x128xf32, #tpu.memory_space<hbm>> -> memref<256x128xf32, #tpu.memory_space<hbm>>
      %dma_wait3A_169 = arith.constant 0 : i32
      %dma_wait3A_170 = arith.constant 0 : i32
      %dma_wait3A_171 = tpu.memref_slice %arg6[%dma_wait3A_160, %dma_wait3A_169, %dma_wait3A_170] : memref<2x256x128xf32, #tpu.memory_space<vmem>> -> memref<1x256x128xf32, #tpu.memory_space<vmem>>
      %dma_wait3A_172 = tpu.memref_squeeze %dma_wait3A_171 : memref<1x256x128xf32, #tpu.memory_space<vmem>> -> memref<256x128xf32, #tpu.memory_space<vmem>>
      tpu.wait_dma2 semaphore(%arg9 : memref<!tpu.dma_semaphore, #tpu.memory_space<semaphore_mem>>) src(%dma_wait3A_172 : memref<256x128xf32, #tpu.memory_space<vmem>>) dst(%dma_wait3A_168 : memref<256x128xf32, #tpu.memory_space<hbm>>)
      %add3A_173 = arith.constant 2 : i32
      %add3A_174 = arith.addi %add3A_125, %add3A_173 : i32
      %mul3A_175 = arith.constant 256 : i32
      %mul3A_176 = arith.muli %add3A_174, %mul3A_175 : i32
      %dma_start3A_177 = arith.constant 0 : i32
      %dma_start3A_178 = arith.constant 0 : i32
      %dma_start3A_179 = arith.constant 0 : i32
      %dma_start3A_180 = tpu.memref_slice %arg6[%dma_start3A_177, %dma_start3A_178, %dma_start3A_179] : memref<2x256x128xf32, #tpu.memory_space<vmem>> -> memref<1x256x128xf32, #tpu.memory_space<vmem>>
      %dma_start3A_181 = tpu.memref_squeeze %dma_start3A_180 : memref<1x256x128xf32, #tpu.memory_space<vmem>> -> memref<256x128xf32, #tpu.memory_space<vmem>>
      %dma_start3A_182 = tpu.memref_slice %arg5[%mul3A_176] : memref<32768xi32, #tpu.memory_space<vmem>> -> memref<256xi32, #tpu.memory_space<vmem>>
      %dma_start3A_183 = arith.constant 0 : i32
      %dma_start3A_184 = arith.constant 0 : i32
      %dma_start3A_185 = tpu.memref_slice %arg2[%dma_start3A_183, %dma_start3A_184] : memref<128000x128xf32, #tpu.memory_space<hbm>> -> memref<128000x128xf32, #tpu.memory_space<hbm>>
      tpu.enqueue_indirect_dma source(%dma_start3A_185 : memref<128000x128xf32, #tpu.memory_space<hbm>>) target(%dma_start3A_181 : memref<256x128xf32, #tpu.memory_space<vmem>>) offsets(%dma_start3A_182 : memref<256xi32, #tpu.memory_space<vmem>>) semaphore(%arg7 : memref<!tpu.dma_semaphore, #tpu.memory_space<semaphore_mem>>)
      %add3A_186 = arith.constant 1 : i32
      %add3A_187 = arith.addi %add3A_123, %add3A_186 : i32
      %dma_wait3A_188 = arith.constant 1 : i32
      %dma_wait3A_189 = arith.constant 0 : i32
      %dma_wait3A_190 = arith.constant 0 : i32
      %dma_wait3A_191 = tpu.memref_slice %arg6[%dma_wait3A_188, %dma_wait3A_189, %dma_wait3A_190] : memref<2x256x128xf32, #tpu.memory_space<vmem>> -> memref<1x256x128xf32, #tpu.memory_space<vmem>>
      %dma_wait3A_192 = tpu.memref_squeeze %dma_wait3A_191 : memref<1x256x128xf32, #tpu.memory_space<vmem>> -> memref<256x128xf32, #tpu.memory_space<vmem>>
      %dma_wait3A_193 = arith.constant 0 : i32
      %dma_wait3A_194 = arith.constant 0 : i32
      %dma_wait3A_195 = tpu.memref_slice %arg2[%dma_wait3A_193, %dma_wait3A_194] : memref<128000x128xf32, #tpu.memory_space<hbm>> -> memref<256x128xf32, #tpu.memory_space<hbm>>
      %dma_wait3A_196 = arith.constant 0 : i32
      %dma_wait3A_197 = arith.constant 0 : i32
      %dma_wait3A_198 = tpu.memref_slice %arg6[%dma_wait3A_188, %dma_wait3A_196, %dma_wait3A_197] : memref<2x256x128xf32, #tpu.memory_space<vmem>> -> memref<1x256x128xf32, #tpu.memory_space<vmem>>
      %dma_wait3A_199 = tpu.memref_squeeze %dma_wait3A_198 : memref<1x256x128xf32, #tpu.memory_space<vmem>> -> memref<256x128xf32, #tpu.memory_space<vmem>>
      %dma_wait3A_200 = arith.constant 0 : i32
      %dma_wait3A_201 = arith.constant 0 : i32
      %dma_wait3A_202 = tpu.memref_slice %arg2[%dma_wait3A_200, %dma_wait3A_201] : memref<128000x128xf32, #tpu.memory_space<hbm>> -> memref<256x128xf32, #tpu.memory_space<hbm>>
      tpu.wait_dma2 semaphore(%arg8 : memref<!tpu.dma_semaphore, #tpu.memory_space<semaphore_mem>>) src(%dma_wait3A_202 : memref<256x128xf32, #tpu.memory_space<hbm>>) dst(%dma_wait3A_199 : memref<256x128xf32, #tpu.memory_space<vmem>>)
      %mul3A_203 = arith.constant 256 : i32
      %mul3A_204 = arith.muli %add3A_187, %mul3A_203 : i32
      %add3A_205 = arith.addi %mul3A_2, %mul3A_204 : i32
      %dma_start3A_206 = arith.constant 1 : i32
      %dma_start3A_207 = arith.constant 0 : i32
      %dma_start3A_208 = arith.constant 0 : i32
      %dma_start3A_209 = tpu.memref_slice %arg6[%dma_start3A_206, %dma_start3A_207, %dma_start3A_208] : memref<2x256x128xf32, #tpu.memory_space<vmem>> -> memref<1x256x128xf32, #tpu.memory_space<vmem>>
      %dma_start3A_210 = tpu.memref_squeeze %dma_start3A_209 : memref<1x256x128xf32, #tpu.memory_space<vmem>> -> memref<256x128xf32, #tpu.memory_space<vmem>>
      %dma_start3A_211 = arith.constant 0 : i32
      %dma_start3A_212 = tpu.memref_slice %arg4[%add3A_205, %dma_start3A_211] : memref<1048576x128xf32, #tpu.memory_space<hbm>> -> memref<256x128xf32, #tpu.memory_space<hbm>>
      %dma_start3A_213 = arith.constant 0 : i32
      %dma_start3A_214 = tpu.memref_slice %arg4[%add3A_205, %dma_start3A_213] : memref<1048576x128xf32, #tpu.memory_space<hbm>> -> memref<256x128xf32, #tpu.memory_space<hbm>>
      %dma_start3A_215 = arith.constant 0 : i32
      %dma_start3A_216 = arith.constant 0 : i32
      %dma_start3A_217 = tpu.memref_slice %arg6[%dma_start3A_206, %dma_start3A_215, %dma_start3A_216] : memref<2x256x128xf32, #tpu.memory_space<vmem>> -> memref<1x256x128xf32, #tpu.memory_space<vmem>>
      %dma_start3A_218 = tpu.memref_squeeze %dma_start3A_217 : memref<1x256x128xf32, #tpu.memory_space<vmem>> -> memref<256x128xf32, #tpu.memory_space<vmem>>
      tpu.enqueue_dma source(%dma_start3A_218 : memref<256x128xf32, #tpu.memory_space<vmem>>) target(%dma_start3A_214 : memref<256x128xf32, #tpu.memory_space<hbm>>) target_semaphore(%arg10 : memref<!tpu.dma_semaphore, #tpu.memory_space<semaphore_mem>>)
      %mul3A_219 = arith.constant 256 : i32
      %mul3A_220 = arith.muli %add3A_187, %mul3A_219 : i32
      %add3A_221 = arith.addi %mul3A_2, %mul3A_220 : i32
      %dma_wait3A_222 = arith.constant 1 : i32
      %dma_wait3A_223 = arith.constant 0 : i32
      %dma_wait3A_224 = arith.constant 0 : i32
      %dma_wait3A_225 = tpu.memref_slice %arg6[%dma_wait3A_222, %dma_wait3A_223, %dma_wait3A_224] : memref<2x256x128xf32, #tpu.memory_space<vmem>> -> memref<1x256x128xf32, #tpu.memory_space<vmem>>
      %dma_wait3A_226 = tpu.memref_squeeze %dma_wait3A_225 : memref<1x256x128xf32, #tpu.memory_space<vmem>> -> memref<256x128xf32, #tpu.memory_space<vmem>>
      %dma_wait3A_227 = arith.constant 0 : i32
      %dma_wait3A_228 = tpu.memref_slice %arg4[%add3A_221, %dma_wait3A_227] : memref<1048576x128xf32, #tpu.memory_space<hbm>> -> memref<256x128xf32, #tpu.memory_space<hbm>>
      %dma_wait3A_229 = arith.constant 0 : i32
      %dma_wait3A_230 = tpu.memref_slice %arg4[%add3A_221, %dma_wait3A_229] : memref<1048576x128xf32, #tpu.memory_space<hbm>> -> memref<256x128xf32, #tpu.memory_space<hbm>>
      %dma_wait3A_231 = arith.constant 0 : i32
      %dma_wait3A_232 = arith.constant 0 : i32
      %dma_wait3A_233 = tpu.memref_slice %arg6[%dma_wait3A_222, %dma_wait3A_231, %dma_wait3A_232] : memref<2x256x128xf32, #tpu.memory_space<vmem>> -> memref<1x256x128xf32, #tpu.memory_space<vmem>>
      %dma_wait3A_234 = tpu.memref_squeeze %dma_wait3A_233 : memref<1x256x128xf32, #tpu.memory_space<vmem>> -> memref<256x128xf32, #tpu.memory_space<vmem>>
      tpu.wait_dma2 semaphore(%arg10 : memref<!tpu.dma_semaphore, #tpu.memory_space<semaphore_mem>>) src(%dma_wait3A_234 : memref<256x128xf32, #tpu.memory_space<vmem>>) dst(%dma_wait3A_230 : memref<256x128xf32, #tpu.memory_space<hbm>>)
      %add3A_235 = arith.constant 2 : i32
      %add3A_236 = arith.addi %add3A_187, %add3A_235 : i32
      %mul3A_237 = arith.constant 256 : i32
      %mul3A_238 = arith.muli %add3A_236, %mul3A_237 : i32
      %dma_start3A_239 = arith.constant 1 : i32
      %dma_start3A_240 = arith.constant 0 : i32
      %dma_start3A_241 = arith.constant 0 : i32
      %dma_start3A_242 = tpu.memref_slice %arg6[%dma_start3A_239, %dma_start3A_240, %dma_start3A_241] : memref<2x256x128xf32, #tpu.memory_space<vmem>> -> memref<1x256x128xf32, #tpu.memory_space<vmem>>
      %dma_start3A_243 = tpu.memref_squeeze %dma_start3A_242 : memref<1x256x128xf32, #tpu.memory_space<vmem>> -> memref<256x128xf32, #tpu.memory_space<vmem>>
      %dma_start3A_244 = tpu.memref_slice %arg5[%mul3A_238] : memref<32768xi32, #tpu.memory_space<vmem>> -> memref<256xi32, #tpu.memory_space<vmem>>
      %dma_start3A_245 = arith.constant 0 : i32
      %dma_start3A_246 = arith.constant 0 : i32
      %dma_start3A_247 = tpu.memref_slice %arg2[%dma_start3A_245, %dma_start3A_246] : memref<128000x128xf32, #tpu.memory_space<hbm>> -> memref<128000x128xf32, #tpu.memory_space<hbm>>
      tpu.enqueue_indirect_dma source(%dma_start3A_247 : memref<128000x128xf32, #tpu.memory_space<hbm>>) target(%dma_start3A_243 : memref<256x128xf32, #tpu.memory_space<vmem>>) offsets(%dma_start3A_244 : memref<256xi32, #tpu.memory_space<vmem>>) semaphore(%arg8 : memref<!tpu.dma_semaphore, #tpu.memory_space<semaphore_mem>>)
    }
    %scan3A_28 = arith.constant 63 : i32
    %dma_wait3A_29 = arith.constant 0 : i32
    %dma_wait3A_30 = arith.constant 0 : i32
    %dma_wait3A_31 = arith.constant 0 : i32
    %dma_wait3A_32 = tpu.memref_slice %arg6[%dma_wait3A_29, %dma_wait3A_30, %dma_wait3A_31] : memref<2x256x128xf32, #tpu.memory_space<vmem>> -> memref<1x256x128xf32, #tpu.memory_space<vmem>>
    %dma_wait3A_33 = tpu.memref_squeeze %dma_wait3A_32 : memref<1x256x128xf32, #tpu.memory_space<vmem>> -> memref<256x128xf32, #tpu.memory_space<vmem>>
    %dma_wait3A_34 = arith.constant 0 : i32
    %dma_wait3A_35 = arith.constant 0 : i32
    %dma_wait3A_36 = tpu.memref_slice %arg2[%dma_wait3A_34, %dma_wait3A_35] : memref<128000x128xf32, #tpu.memory_space<hbm>> -> memref<256x128xf32, #tpu.memory_space<hbm>>
    %dma_wait3A_37 = arith.constant 0 : i32
    %dma_wait3A_38 = arith.constant 0 : i32
    %dma_wait3A_39 = tpu.memref_slice %arg6[%dma_wait3A_29, %dma_wait3A_37, %dma_wait3A_38] : memref<2x256x128xf32, #tpu.memory_space<vmem>> -> memref<1x256x128xf32, #tpu.memory_space<vmem>>
    %dma_wait3A_40 = tpu.memref_squeeze %dma_wait3A_39 : memref<1x256x128xf32, #tpu.memory_space<vmem>> -> memref<256x128xf32, #tpu.memory_space<vmem>>
    %dma_wait3A_41 = arith.constant 0 : i32
    %dma_wait3A_42 = arith.constant 0 : i32
    %dma_wait3A_43 = tpu.memref_slice %arg2[%dma_wait3A_41, %dma_wait3A_42] : memref<128000x128xf32, #tpu.memory_space<hbm>> -> memref<256x128xf32, #tpu.memory_space<hbm>>
    tpu.wait_dma2 semaphore(%arg7 : memref<!tpu.dma_semaphore, #tpu.memory_space<semaphore_mem>>) src(%dma_wait3A_43 : memref<256x128xf32, #tpu.memory_space<hbm>>) dst(%dma_wait3A_40 : memref<256x128xf32, #tpu.memory_space<vmem>>)
    %add3A_44 = arith.constant 32256 : i32
    %add3A_45 = arith.addi %mul3A_2, %add3A_44 : i32
    %dma_start3A_46 = arith.constant 0 : i32
    %dma_start3A_47 = arith.constant 0 : i32
    %dma_start3A_48 = arith.constant 0 : i32
    %dma_start3A_49 = tpu.memref_slice %arg6[%dma_start3A_46, %dma_start3A_47, %dma_start3A_48] : memref<2x256x128xf32, #tpu.memory_space<vmem>> -> memref<1x256x128xf32, #tpu.memory_space<vmem>>
    %dma_start3A_50 = tpu.memref_squeeze %dma_start3A_49 : memref<1x256x128xf32, #tpu.memory_space<vmem>> -> memref<256x128xf32, #tpu.memory_space<vmem>>
    %dma_start3A_51 = arith.constant 0 : i32
    %dma_start3A_52 = tpu.memref_slice %arg4[%add3A_45, %dma_start3A_51] : memref<1048576x128xf32, #tpu.memory_space<hbm>> -> memref<256x128xf32, #tpu.memory_space<hbm>>
    %dma_start3A_53 = arith.constant 0 : i32
    %dma_start3A_54 = tpu.memref_slice %arg4[%add3A_45, %dma_start3A_53] : memref<1048576x128xf32, #tpu.memory_space<hbm>> -> memref<256x128xf32, #tpu.memory_space<hbm>>
    %dma_start3A_55 = arith.constant 0 : i32
    %dma_start3A_56 = arith.constant 0 : i32
    %dma_start3A_57 = tpu.memref_slice %arg6[%dma_start3A_46, %dma_start3A_55, %dma_start3A_56] : memref<2x256x128xf32, #tpu.memory_space<vmem>> -> memref<1x256x128xf32, #tpu.memory_space<vmem>>
    %dma_start3A_58 = tpu.memref_squeeze %dma_start3A_57 : memref<1x256x128xf32, #tpu.memory_space<vmem>> -> memref<256x128xf32, #tpu.memory_space<vmem>>
    tpu.enqueue_dma source(%dma_start3A_58 : memref<256x128xf32, #tpu.memory_space<vmem>>) target(%dma_start3A_54 : memref<256x128xf32, #tpu.memory_space<hbm>>) target_semaphore(%arg9 : memref<!tpu.dma_semaphore, #tpu.memory_space<semaphore_mem>>)
    %add3A_59 = arith.constant 32256 : i32
    %add3A_60 = arith.addi %mul3A_2, %add3A_59 : i32
    %dma_wait3A_61 = arith.constant 0 : i32
    %dma_wait3A_62 = arith.constant 0 : i32
    %dma_wait3A_63 = arith.constant 0 : i32
    %dma_wait3A_64 = tpu.memref_slice %arg6[%dma_wait3A_61, %dma_wait3A_62, %dma_wait3A_63] : memref<2x256x128xf32, #tpu.memory_space<vmem>> -> memref<1x256x128xf32, #tpu.memory_space<vmem>>
    %dma_wait3A_65 = tpu.memref_squeeze %dma_wait3A_64 : memref<1x256x128xf32, #tpu.memory_space<vmem>> -> memref<256x128xf32, #tpu.memory_space<vmem>>
    %dma_wait3A_66 = arith.constant 0 : i32
    %dma_wait3A_67 = tpu.memref_slice %arg4[%add3A_60, %dma_wait3A_66] : memref<1048576x128xf32, #tpu.memory_space<hbm>> -> memref<256x128xf32, #tpu.memory_space<hbm>>
    %dma_wait3A_68 = arith.constant 0 : i32
    %dma_wait3A_69 = tpu.memref_slice %arg4[%add3A_60, %dma_wait3A_68] : memref<1048576x128xf32, #tpu.memory_space<hbm>> -> memref<256x128xf32, #tpu.memory_space<hbm>>
    %dma_wait3A_70 = arith.constant 0 : i32
    %dma_wait3A_71 = arith.constant 0 : i32
    %dma_wait3A_72 = tpu.memref_slice %arg6[%dma_wait3A_61, %dma_wait3A_70, %dma_wait3A_71] : memref<2x256x128xf32, #tpu.memory_space<vmem>> -> memref<1x256x128xf32, #tpu.memory_space<vmem>>
    %dma_wait3A_73 = tpu.memref_squeeze %dma_wait3A_72 : memref<1x256x128xf32, #tpu.memory_space<vmem>> -> memref<256x128xf32, #tpu.memory_space<vmem>>
    tpu.wait_dma2 semaphore(%arg9 : memref<!tpu.dma_semaphore, #tpu.memory_space<semaphore_mem>>) src(%dma_wait3A_73 : memref<256x128xf32, #tpu.memory_space<vmem>>) dst(%dma_wait3A_69 : memref<256x128xf32, #tpu.memory_space<hbm>>)
    %dma_wait3A_74 = arith.constant 1 : i32
    %dma_wait3A_75 = arith.constant 0 : i32
    %dma_wait3A_76 = arith.constant 0 : i32
    %dma_wait3A_77 = tpu.memref_slice %arg6[%dma_wait3A_74, %dma_wait3A_75, %dma_wait3A_76] : memref<2x256x128xf32, #tpu.memory_space<vmem>> -> memref<1x256x128xf32, #tpu.memory_space<vmem>>
    %dma_wait3A_78 = tpu.memref_squeeze %dma_wait3A_77 : memref<1x256x128xf32, #tpu.memory_space<vmem>> -> memref<256x128xf32, #tpu.memory_space<vmem>>
    %dma_wait3A_79 = arith.constant 0 : i32
    %dma_wait3A_80 = arith.constant 0 : i32
    %dma_wait3A_81 = tpu.memref_slice %arg2[%dma_wait3A_79, %dma_wait3A_80] : memref<128000x128xf32, #tpu.memory_space<hbm>> -> memref<256x128xf32, #tpu.memory_space<hbm>>
    %dma_wait3A_82 = arith.constant 0 : i32
    %dma_wait3A_83 = arith.constant 0 : i32
    %dma_wait3A_84 = tpu.memref_slice %arg6[%dma_wait3A_74, %dma_wait3A_82, %dma_wait3A_83] : memref<2x256x128xf32, #tpu.memory_space<vmem>> -> memref<1x256x128xf32, #tpu.memory_space<vmem>>
    %dma_wait3A_85 = tpu.memref_squeeze %dma_wait3A_84 : memref<1x256x128xf32, #tpu.memory_space<vmem>> -> memref<256x128xf32, #tpu.memory_space<vmem>>
    %dma_wait3A_86 = arith.constant 0 : i32
    %dma_wait3A_87 = arith.constant 0 : i32
    %dma_wait3A_88 = tpu.memref_slice %arg2[%dma_wait3A_86, %dma_wait3A_87] : memref<128000x128xf32, #tpu.memory_space<hbm>> -> memref<256x128xf32, #tpu.memory_space<hbm>>
    tpu.wait_dma2 semaphore(%arg8 : memref<!tpu.dma_semaphore, #tpu.memory_space<semaphore_mem>>) src(%dma_wait3A_88 : memref<256x128xf32, #tpu.memory_space<hbm>>) dst(%dma_wait3A_85 : memref<256x128xf32, #tpu.memory_space<vmem>>)
    %add3A_89 = arith.constant 32512 : i32
    %add3A_90 = arith.addi %mul3A_2, %add3A_89 : i32
    %dma_start3A_91 = arith.constant 1 : i32
    %dma_start3A_92 = arith.constant 0 : i32
    %dma_start3A_93 = arith.constant 0 : i32
    %dma_start3A_94 = tpu.memref_slice %arg6[%dma_start3A_91, %dma_start3A_92, %dma_start3A_93] : memref<2x256x128xf32, #tpu.memory_space<vmem>> -> memref<1x256x128xf32, #tpu.memory_space<vmem>>
    %dma_start3A_95 = tpu.memref_squeeze %dma_start3A_94 : memref<1x256x128xf32, #tpu.memory_space<vmem>> -> memref<256x128xf32, #tpu.memory_space<vmem>>
    %dma_start3A_96 = arith.constant 0 : i32
    %dma_start3A_97 = tpu.memref_slice %arg4[%add3A_90, %dma_start3A_96] : memref<1048576x128xf32, #tpu.memory_space<hbm>> -> memref<256x128xf32, #tpu.memory_space<hbm>>
    %dma_start3A_98 = arith.constant 0 : i32
    %dma_start3A_99 = tpu.memref_slice %arg4[%add3A_90, %dma_start3A_98] : memref<1048576x128xf32, #tpu.memory_space<hbm>> -> memref<256x128xf32, #tpu.memory_space<hbm>>
    %dma_start3A_100 = arith.constant 0 : i32
    %dma_start3A_101 = arith.constant 0 : i32
    %dma_start3A_102 = tpu.memref_slice %arg6[%dma_start3A_91, %dma_start3A_100, %dma_start3A_101] : memref<2x256x128xf32, #tpu.memory_space<vmem>> -> memref<1x256x128xf32, #tpu.memory_space<vmem>>
    %dma_start3A_103 = tpu.memref_squeeze %dma_start3A_102 : memref<1x256x128xf32, #tpu.memory_space<vmem>> -> memref<256x128xf32, #tpu.memory_space<vmem>>
    tpu.enqueue_dma source(%dma_start3A_103 : memref<256x128xf32, #tpu.memory_space<vmem>>) target(%dma_start3A_99 : memref<256x128xf32, #tpu.memory_space<hbm>>) target_semaphore(%arg10 : memref<!tpu.dma_semaphore, #tpu.memory_space<semaphore_mem>>)
    %add3A_104 = arith.constant 32512 : i32
    %add3A_105 = arith.addi %mul3A_2, %add3A_104 : i32
    %dma_wait3A_106 = arith.constant 1 : i32
    %dma_wait3A_107 = arith.constant 0 : i32
    %dma_wait3A_108 = arith.constant 0 : i32
    %dma_wait3A_109 = tpu.memref_slice %arg6[%dma_wait3A_106, %dma_wait3A_107, %dma_wait3A_108] : memref<2x256x128xf32, #tpu.memory_space<vmem>> -> memref<1x256x128xf32, #tpu.memory_space<vmem>>
    %dma_wait3A_110 = tpu.memref_squeeze %dma_wait3A_109 : memref<1x256x128xf32, #tpu.memory_space<vmem>> -> memref<256x128xf32, #tpu.memory_space<vmem>>
    %dma_wait3A_111 = arith.constant 0 : i32
    %dma_wait3A_112 = tpu.memref_slice %arg4[%add3A_105, %dma_wait3A_111] : memref<1048576x128xf32, #tpu.memory_space<hbm>> -> memref<256x128xf32, #tpu.memory_space<hbm>>
    %dma_wait3A_113 = arith.constant 0 : i32
    %dma_wait3A_114 = tpu.memref_slice %arg4[%add3A_105, %dma_wait3A_113] : memref<1048576x128xf32, #tpu.memory_space<hbm>> -> memref<256x128xf32, #tpu.memory_space<hbm>>
    %dma_wait3A_115 = arith.constant 0 : i32
    %dma_wait3A_116 = arith.constant 0 : i32
    %dma_wait3A_117 = tpu.memref_slice %arg6[%dma_wait3A_106, %dma_wait3A_115, %dma_wait3A_116] : memref<2x256x128xf32, #tpu.memory_space<vmem>> -> memref<1x256x128xf32, #tpu.memory_space<vmem>>
    %dma_wait3A_118 = tpu.memref_squeeze %dma_wait3A_117 : memref<1x256x128xf32, #tpu.memory_space<vmem>> -> memref<256x128xf32, #tpu.memory_space<vmem>>
    tpu.wait_dma2 semaphore(%arg10 : memref<!tpu.dma_semaphore, #tpu.memory_space<semaphore_mem>>) src(%dma_wait3A_118 : memref<256x128xf32, #tpu.memory_space<vmem>>) dst(%dma_wait3A_114 : memref<256x128xf32, #tpu.memory_space<hbm>>)
    return
  }
}

module attributes {stable_mosaic.version = 14 : i64} {
  func.func @_combine_body(%arg0: i32, %arg1: memref<8x128xf32, #tpu.memory_space<vmem>>, %arg2: memref<1000x128xf32, #tpu.memory_space<vmem>>, %arg3: memref<8x1000x128xf32, #tpu.memory_space<vmem>>) attributes {dimension_semantics = [#tpu.dimension_semantics<arbitrary>], iteration_bounds = array<i64: 16>, scalar_prefetch = 0 : i64, scratch_operands = 0 : i64, tpu.core_type = #tpu.core_type<tc>, window_params = [{transform_indices = @transform_0, window_bounds = array<i64: 8, 128>}, {pipeline_mode = #tpu.pipeline_mode<synchronous>, transform_indices = @transform_1, window_bounds = array<i64: 1000, 128>}, {transform_indices = @transform_2, window_bounds = array<i64: 8, 1000, 128>}]} {
    %get3A = arith.constant 0 : index
    %get3A_0 = arith.constant 0 : index
    %get3A_1 = vector.load %arg1[%get3A, %get3A_0] : memref<8x128xf32, #tpu.memory_space<vmem>>, vector<8x128xf32>
    %broadcast_in_dim3A = vector.shape_cast %get3A_1 : vector<8x128xf32> to vector<8x1x128xf32>
    %get3A_2 = arith.constant 0 : index
    %get3A_3 = arith.constant 0 : index
    %get3A_4 = vector.load %arg2[%get3A_2, %get3A_3] : memref<1000x128xf32, #tpu.memory_space<vmem>>, vector<1000x128xf32>
    %broadcast_in_dim3A_5 = vector.shape_cast %get3A_4 : vector<1000x128xf32> to vector<1x1000x128xf32>
    %add3A = vector.broadcast %broadcast_in_dim3A : vector<8x1x128xf32> to vector<8x1000x128xf32>
    %add3A_6 = vector.broadcast %broadcast_in_dim3A_5 : vector<1x1000x128xf32> to vector<8x1000x128xf32>
    %add3A_7 = arith.addf %add3A, %add3A_6 : vector<8x1000x128xf32>
    %swap3A = arith.constant 0 : index
    %swap3A_8 = arith.constant 0 : index
    %swap3A_9 = arith.constant 0 : index
    %swap3A_10 = vector.load %arg3[%swap3A, %swap3A_8, %swap3A_9] : memref<8x1000x128xf32, #tpu.memory_space<vmem>>, vector<8x1000x128xf32>
    tpu.vector_store %arg3[%swap3A, %swap3A_8, %swap3A_9], %add3A_7 {strides = array<i32>} : memref<8x1000x128xf32, #tpu.memory_space<vmem>>, vector<8x1000x128xf32>,
    return
  }
  func.func @transform_0(%arg0: i32) -> (i32, i32) {
    %jit3A = arith.constant 8 : i32
    %eq3A = arith.constant 0 : i32
    %eq3A_0 = arith.cmpi eq, %jit3A, %eq3A : i32
    %jit3A_1 = arith.constant 1 : i32
    %select_n3A = arith.select %eq3A_0, %jit3A_1, %jit3A : i32
    %rem3A = arith.remsi %arg0, %select_n3A : i32
    %ne3A = arith.constant 0 : i32
    %ne3A_2 = arith.cmpi ne, %rem3A, %ne3A : i32
    %lt3A = arith.constant 0 : i32
    %lt3A_3 = arith.cmpi slt, %rem3A, %lt3A : i32
    %lt3A_4 = arith.constant 0 : i32
    %lt3A_5 = arith.cmpi slt, %select_n3A, %lt3A_4 : i32
    %ne3A_6 = arith.xori %lt3A_3, %lt3A_5 : i1
    %and3A = arith.andi %ne3A_6, %ne3A_2 : i1
    %add3A = arith.addi %rem3A, %select_n3A : i32
    %select_n3A_7 = arith.select %and3A, %add3A, %rem3A : i32
    %c0_i32 = arith.constant 0 : i32
    %c0_i32_8 = arith.constant 0 : i32
    return %select_n3A_7, %c0_i32 : i32, i32
  }
  func.func @transform_1(%arg0: i32) -> (i32, i32) {
    %c0_i32 = arith.constant 0 : i32
    %c0_i32_0 = arith.constant 0 : i32
    %c0_i32_1 = arith.constant 0 : i32
    return %c0_i32, %c0_i32_0 : i32, i32
  }
  func.func @transform_2(%arg0: i32) -> (i32, i32, i32) {
    %c0_i32 = arith.constant 0 : i32
    %c0_i32_0 = arith.constant 0 : i32
    %c0_i32_1 = arith.constant 0 : i32
    return %arg0, %c0_i32, %c0_i32_0 : i32, i32, i32
  }
}

</mosaic_0001>

<sc_bundles>
// kernel: kernel.4.cloned.1.call-start
scs
__scs_entry_jumppad:
0x0: {  	(pc) =	sbr.rel $0x88, $3  }
0x1: {  	(tag) =	ssettag $0x0;
	lr =	simm.s32 $0x1  }
0x2: {  	[smem:$0x3F9E] =	sst lr;
	_ =	strace $0xD0000000  }
0x3: {  	_ = 	snop  }
0x4: {  	_ = 	snop  }
0x5: {  	_ = 	snop  }
0x6: {  	_ = 	snop  }
0x7: {  	_ = 	snop  }
__scs_overlays_trampoline_lowered:
0x8: {  	[smem:$0x3FAD] =	sst s0  }
0x9: {  	[smem:$0x3FAE] =	sst s1  }
0xa: {  	[smem:$0x3FAF] =	sst s2  }
0xb: {  	[smem:$0x3FB0] =	sst s3  }
0xc: {  	[smem:$0x3FB1] =	sst s4  }
0xd: {  	[smem:$0x3FB2] =	sst s5  }
0xe: {  	[smem:$0x3FB3] =	sst s6  }
0xf: {  	[smem:$0x3FB4] =	sst s7  }
0x10: {  	[smem:$0x3FB5] =	sst s8  }
0x11: {  	[smem:$0x3FB6] =	sst s9;
	s0 =	simm.s32 @!p0 $0x0  }
0x12: {  	s1 =	sld [smem:$0x3F9C];
	s0 =	simm.s32 @p0 $0x1  }
0x13: {  	[smem:$0x3FB7] =	sst s0;
	s0 =	simm.s32 @!p1 $0x0  }
0x14: {  	s2 =	sld [smem:$0x3F9B];
	s0 =	simm.s32 @p1 $0x1  }
0x15: {  	[smem:$0x3FB8] =	sst s0;
	s0 =	simm.s32 @!p2 $0x0  }
0x16: {  	s3 =	sld [smem:$0x3FDB];
	s0 =	simm.s32 @p2 $0x1  }
0x17: {  	s4 =	simm.s32 $0x1BF5;
	[smem:$0x3FBA] =	sst s0  }
0x18: {  	s0 =	sld [smem:$0x3F9D];
	_ =	swait.ge [sflag:s4], $0x0  }
0x19: {  	s7 =	sld [smem:$0x3F9E]  }
0x1a: {  	s8 =	sadd.s32 $0xFFFFE003, lr  }
0x1b: {  	s9 =	sadd.s32 $0xFFFFFEF7, lr;
	s5 =	simm.s32 $0xFFFFFFFF;
	p2 =	slt.u32 s8, $0xFFFFF086  }
0x1c: {  	p1 =	slt.u32 s9, $0xF7A;
	s5 =	simm.s32 @!p2 $0x0  }
0x1d: {  	s5 =	simm.s32 @p1 $0x1;
	p0 =	seq.s32 s7, s2  }
0x1e: {  	s7 =	smul.u32 @!p0 $0xF7A, s2;
	p2 =	seq.s32 @!p0 s5, $0x0  }
0x1f: {  	s9 =	smul.u32 $0xF7A, s1;
	s8 =	simm.s32 @!p0 $0x1BF5;
	p2 =	por !p2, p0  }
0x20: {  	[sflag:s8] =	ssyncset.s32 @!p0 $0xFFFFF086;
	s6 =	sadd.s32 @!p0 s3, s7;
	s7 =	simm.s32 @!p0 $0x108  }
0x21: {  	s3 =	sadd.s32 s3, s9;
	s6 =	sadd.s32 @!p0 $0x88, s6;
	s7 =	simm.s32 @p2 $0x1082  }
0x22: {  	[simem:s7], [sflag:s8] =	dma.local @!p0 [hbm:s6], $0xF7A  }
0x23: {  	s9 =	sor.u32 $0xD0000000, s2;
	s6 =	simm.s32 $0x108;
	_ =	swait.ge @!p0 [sflag:s8], $0x0  }
0x24: {  	s3 =	sadd.s32 $0x88, s3;
	s6 =	simm.s32 @!p1 $0x1082;
	[sflag:s4] =	ssyncset.s32 $0xFFFFF086  }
0x25: {  	[simem:s6], [sflag:s4] =	dma.local [hbm:s3], $0xF7A  }
0x26: {  	[smem:$0x3F9E] =	sst s1;
	(tag) =	ssettag s2;
	_ =	strace s9  }
0x27: {  	s1 =	sld [smem:$0x3FAE]  }
0x28: {  	s2 =	sld [smem:$0x3FAF]  }
0x29: {  	s4 =	sld [smem:$0x3FB1]  }
0x2a: {  	p0 =	seq.s32 s5, $0x0;
	s5 =	sld [smem:$0x3FB2]  }
0x2b: {  	s6 =	sld [smem:$0x3FB3]  }
0x2c: {  	s7 =	sld [smem:$0x3FB4]  }
0x2d: {  	s3 =	simm.s32 $0x108;
	s8 =	sld [smem:$0x3FB5]  }
0x2e: {  	s3 =	simm.s32 @!p0 $0x1082;
	s9 =	sld [smem:$0x3FB6]  }
0x2f: {  	lr =	sadd.s32 s0, s3;
	s0 =	sld [smem:$0x3FAD]  }
0x30: {  	s3 =	sld [smem:$0x3FB0]  }
0x31: {  	[smem:$0x3FB9] =	sst s10  }
0x32: {  	s10 =	sld [smem:$0x3FB7];
	_ =	sdelay $0x3  }
0x33: {  	p0 =	seq.s32 s10, $0x1;
	s10 =	sld [smem:$0x3FB9];
	_ =	sdelay $0x3  }
0x34: {  	[smem:$0x3FB9] =	sst s10  }
0x35: {  	s10 =	sld [smem:$0x3FB8];
	_ =	sdelay $0x3  }
0x36: {  	p1 =	seq.s32 s10, $0x1;
	s10 =	sld [smem:$0x3FB9];
	_ =	sdelay $0x3  }
0x37: {  	[smem:$0x3FB9] =	sst s10  }
0x38: {  	s10 =	sld [smem:$0x3FBA]  }
0x39: {  	_ = 	snop;
	(pc) =	sbr.ind lr, $3  }
0x3a: {  	_ = 	snop  }
0x3b: {  	_ = 	snop  }
0x3c: {  	p2 =	seq.s32 s10, $0x1;
	s10 =	sld [smem:$0x3FB9]  }
0x3d: {  	_ =	shalt  }
0x3e: {  	_ =	shalt  }
0x3f: {  	_ =	shalt  }
0x40: {  	_ =	shalt  }
0x41: {  	_ =	shalt  }
0x42: {  	_ =	shalt  }
0x43: {  	_ =	shalt  }
0x44: {  	_ =	shalt  }
0x45: {  	_ =	shalt  }
0x46: {  	_ =	shalt  }
0x47: {  	_ =	shalt  }
0x48: {  	_ =	shalt  }
0x49: {  	_ =	shalt  }
0x4a: {  	_ =	shalt  }
0x4b: {  	_ =	shalt  }
0x4c: {  	_ =	shalt  }
0x4d: {  	_ =	shalt  }
0x4e: {  	_ =	shalt  }
0x4f: {  	_ =	shalt  }
0x50: {  	_ =	shalt  }
0x51: {  	_ =	shalt  }
0x52: {  	_ =	shalt  }
0x53: {  	_ =	shalt  }
0x54: {  	_ =	shalt  }
0x55: {  	_ =	shalt  }
0x56: {  	_ =	shalt  }
0x57: {  	_ =	shalt  }
0x58: {  	_ =	shalt  }
0x59: {  	_ =	shalt  }
0x5a: {  	_ =	shalt  }
0x5b: {  	_ =	shalt  }
0x5c: {  	_ =	shalt  }
0x5d: {  	_ =	shalt  }
0x5e: {  	_ =	shalt  }
0x5f: {  	_ =	shalt  }
0x60: {  	_ =	shalt  }
0x61: {  	_ =	shalt  }
0x62: {  	_ =	shalt  }
0x63: {  	_ =	shalt  }
0x64: {  	_ =	shalt  }
0x65: {  	_ =	shalt  }
0x66: {  	_ =	shalt  }
0x67: {  	_ =	shalt  }
0x68: {  	_ =	shalt  }
0x69: {  	_ =	shalt  }
0x6a: {  	_ =	shalt  }
0x6b: {  	_ =	shalt  }
0x6c: {  	_ =	shalt  }
0x6d: {  	_ =	shalt  }
0x6e: {  	_ =	shalt  }
0x6f: {  	_ =	shalt  }
0x70: {  	_ =	shalt  }
0x71: {  	_ =	shalt  }
0x72: {  	_ =	shalt  }
0x73: {  	_ =	shalt  }
0x74: {  	_ =	shalt  }
0x75: {  	_ =	shalt  }
0x76: {  	_ =	shalt  }
0x77: {  	_ =	shalt  }
0x78: {  	_ =	shalt  }
0x79: {  	_ =	shalt  }
0x7a: {  	_ =	shalt  }
0x7b: {  	_ =	shalt  }
0x7c: {  	_ =	shalt  }
0x7d: {  	_ =	shalt  }
0x7e: {  	_ =	shalt  }
0x7f: {  	_ =	shalt  }
0x80: {  	_ =	shalt  }
0x81: {  	_ =	shalt  }
0x82: {  	_ =	shalt  }
0x83: {  	_ =	shalt  }
0x84: {  	_ =	shalt  }
0x85: {  	_ =	shalt  }
0x86: {  	_ =	shalt  }
0x87: {  	_ =	shalt  }
.Lfunc_end0:
.L_simem_size_0:
called_computation_lowered:
.L_overlay_start_0:
0x88: {  	s2 =	sld [smem:$0x3FD9]  }
0x89: {  	s3 =	sld [smem:$0x3FFE];
	_ =	sdelay $0x1  }
0x8a: {  	s1 =	srdreg.scid  }
0x8b: {  	s0 =	sand.u32 $0x1, s1  }
0x8c: {  	s17 =	sshll.u32 s0, $0xA;
	s2 =	sadd.s32 s3, s2  }
0x8d: {  	s2 =	sadd.s32 s2, s17  }
0x8e: {  	[smem:$0x3FC5] =	sst s2  }
0x8f: {  	_ = 	snop  }
0x90: {  	s2 =	sld [smem:$0x3FD0];
	(tm) =	ssettm $0x1  }
0x91: {  	s18 =	sld [smem:$0x3FFB];
	_ =	sdelay $0x3  }
0x92: {  	_ =	strace s18  }
0x93: {  	s3 =	sld [smem:$0x3FFC];
	_ =	sdelay $0x3  }
0x94: {  	_ =	strace s3  }
0x95: {  	s3 =	sld [smem:$0x3FFD];
	_ =	sdelay $0x3  }
0x96: {  	_ =	strace s3  }
0x97: {  	_ =	strace $0x8FFFFFFF  }
0x98: {  	s19 =	sld [smem:$0x3FDB];
	_ =	sdelay $0x1  }
0x99: {  	s4 =	simm.s32 $_scs_section_size  }
0x9a: {  	s5 =	simm.s32 $_size__tile_overlayer_lowered;
	s6 =	simm.s32 $_tile_overlayer_lowered  }
0x9b: {  	s22 =	simm.s32 $0x1BFF;
	s21 =	sshll.u32 s6, $0x1;
	s3 =	sadd.s32 s4, s19  }
0x9c: {  	s7 =	simm.s32 $0x0;
	s20 =	sshll.u32 s5, $0x1;
	s5 =	sadd.s32 s21, s3  }
0x9d: {  	[timem:s7], [sflag:s22] =	dma.local [hbm:s5], s20  }
0x9e: {  	_ =	swait.ge [sflag:s22], s20  }
0x9f: {  	s4 =	ssub.s32 $0x0, s20;
	[sflag:s22] =	ssyncset.done $0x0  }
0xa0: {  	[sflag:s22] =	ssyncadd.s32 s4;
	_ =	sdelay $0x1  }
0xa1: {  	s23 =	simm.s32 $0x1B8B  }
0xa2: {  	_ =	swait.ge [sflag:s23], $0x1  }
0xa3: {  	[sflag:s23] =	ssyncset.done $0x0  }
0xa4: {  	s25 =	simm.s32 $0x1B8E;
	s24 =	sld [smem:$0x3FFE];
	[sflag:s23] =	ssyncadd.s32 $0xFFFFFFFF  }
0xa5: {  	s26 =	simm.s32 $execute0_lowered;
	[smem:$0x3FD2] =	sst s25  }
0xa6: {  	s5 =	sshll.u32 s26, $0x1;
	_ =	strace $0x80000046;
	[dreg:$0x1] =	wrdreg $0xFFFFFFFF  }
0xa7: {  	s28 =	simm.s32 $_size_execute0_lowered;
	s3 =	sadd.s32 s3, s5;
	[dreg:$0x0] =	wrdreg $0x0  }
0xa8: {  	s5 =	sshll.u32 s28, $0x1;
	[dreg:$0x2] =	wrdreg s3  }
0xa9: {  	[dreg:$0x3] =	wrdreg s5  }
0xaa: {  	[dreg:$0x4] =	wrdreg $0xC0  }
0xab: {  	_ =	task [dreg:s7], $0x5FFFF  }
0xac: {  	[dreg:$0x1] =	wrdreg $0xFFFFFFFF  }
0xad: {  	[dreg:$0x0] =	wrdreg $0x60  }
0xae: {  	[dreg:$0x2] =	wrdreg s24  }
0xaf: {  	[dreg:$0x3] =	wrdreg s2  }
0xb0: {  	[dreg:$0x4] =	wrdreg $0x9  }
0xb1: {  	_ =	task.clear_ibuf [dreg:s7], $0x5FFFF;
	_ =	strace $0x90000046  }
0xb2: {  	s29 =	simm.s32 $0x9;
	_ =	strace $0x80000048  }
0xb3: {  	_ =	swait.ge [sflag:s29], $0x1  }
0xb4: {  	[sflag:s29] =	ssyncadd.s32 $0xFFFFFFFF  }
0xb5: {  	_ =	strace $0x90000048  }
0xb6: {  	_ =	sfence  }
0xb7: {  	s30 =	sld [smem:$0x0];
	_ =	sdelay $0x2  }
0xb8: {  	s31 =	sshll.u32 s1, $0xD;
	s1 =	sshrl.u32 s1, $0x2  }
0xb9: {  	s3 =	sand.u32 $0x4000, s31;
	s1 =	sadd.s32 s1, s30  }
0xba: {  	s0 =	sor.u32 s3, s0;
	s1 =	sshll.u32 s1, $0x11  }
0xbb: {  	s0 =	sor.u32 s1, s0  }
0xbc: {  	s0 =	sadd.s32 $0x8F2B, s0  }
0xbd: {  	[sflag:s0] =	ssyncadd.remote.s32 $0x1  }
0xbe: {  	_ =	sfence.sel $0xFFFF  }
0xbf: {  	[dreg:$0x0] =	wrdreg $0xFFFFFFFF;
	(pc) =	sbr.abs _section_cstart, $3  }
0xc0: {  	[dreg:$0x1] =	wrdreg $0xFFFFFFFF  }
0xc1: {  	_ =	task.clear_ibuf [dreg:s7], $0x2FFFF;
	_ =	strace $0x9FFFFFFF  }
0xc2: {  	(tm) =	ssettm $0x7FFFFFFF  }
0xc3: {  	_ =	shalt  }
tec
execute0_lowered:
.L_overlay_start_1:
0x0: {  	(tag) =	ssettag $0x1  }
0x1: {  	s4 =	rddreg [dreg:$0x0]  }
0x2: {  	s6 =	rddreg [dreg:$0x1]  }
0x3: {  	s0 =	rddreg [dreg:$0x2];
	s3 =	srdreg.scid  }
0x4: {  	s2 =	simm.s32 $0x0;
	s1 =	stileid.u32;
	s12 =	simm.s32 $0x10000  }
0x5: {  	s13 =	simm.s32 $0x1;
	s14 =	simm.s32 $0x3;
	s15 =	simm.s32 $0x2  }
0x6: {  	s16 =	simm.s32 $0x4;
	s17 =	simm.s32 $0x0;
	s7 =	sand.u32 $0x1, s3  }
0x7: {  	[smem:$0x7FF] =	sst s2;
	s29 =	sshll.u32 s1, $0x10;
	s3 =	sadd.s32 $0x20800, s4  }
0x8: {  	s31 =	sshll.u32 s1, $0x14;
	s5 =	sshll.u32 s7, $0xF;
	s8 =	ssub.s32 $0x2, s7  }
0x9: {  	_ =	strace $0x80000047;
	s5 =	sor.u32 s5, s29;
	s10 =	sshrl.u32 s8, $0x1  }
0xa: {  	s11 =	sshll.u32 s7, $0x13;
	s9 =	sshrl.u32 s5, $0x3;
	s8 =	ssub.s32 s8, s10  }
0xb: {  	s5 =	sshll.u32 s5, $0x4;
	s10 =	sadd.s32 s31, s6;
	s4 =	sadd.s32 s9, s4  }
0xc: {  	s30 =	sadd.s32 s5, s6;
	s7 =	smax.u32 s8, $0x1;
	s8 =	sadd.s32 s11, s10  }
0xd: {  	s9 =	simm.s32 $0x5;
	s10 =	simm.s32 $0x100;
	s11 =	simm.s32 $0x8000  }
0xe: {  	s4 =	sadd.s32 $0x800, s4;
	s5 =	sadd.s32 $0x7E000, s30;
	s6 =	sadd.s32 $0x7F000, s30  }
.LBB2_1:
0xf: {  	[tilespmem:s2], [sflag:$0x5] =	stream.linear.gather [hbm4b:s4+s2], $0x8000, $0x38;
	[tilespmem:$0x18000] =	vst v63  }
0x10: {  	_ =	swait.ge [sflag:s9], $0x8000  }
0x11: {  	[sflag:s9] =	ssyncset.done $0x0  }
0x12: {  	[sflag:s9] =	ssyncadd.s32 $0xFFFF8000  }
0x13: {  	[tilespmem:s11], [sflag:$0x1] =	stream.indirect.gather [hbm4b:s3+s10], $0x80, s2, s10, $0xb8;
	[tilespmem:$0x18000] =	vst v63  }
0x14: {  	_ = 	snop  }
0x15: {  	[tilespmem:s12], [sflag:$0x2] =	stream.indirect.gather [hbm4b:s3+s10], $0x80, s10, s10, $0xb8;
	[tilespmem:$0x18000] =	vst v63  }
0x16: {  	_ =	swait.ge [sflag:s13], $0x8000  }
0x17: {  	[sflag:s13] =	ssyncset.done $0x0  }
0x18: {  	s18 =	sadd.s32 $0x0, s8;
	[sflag:s13] =	ssyncadd.s32 $0xFFFF8000  }
0x19: {  	[hbm4b:s18+s2] =	stream.linear.scatter [tilespmem:s11], [sflag:$0x3], $0x8000, $0x38;
	[tilespmem:$0x18000] =	vst v63  }
0x1a: {  	_ =	swait.ge [sflag:s14], $0x8000  }
0x1b: {  	[sflag:s14] =	ssyncset.done $0x0  }
0x1c: {  	s19 =	simm.s32 $0x200;
	[sflag:s14] =	ssyncadd.s32 $0xFFFF8000  }
0x1d: {  	[tilespmem:s11], [sflag:$0x1] =	stream.indirect.gather [hbm4b:s3+s10], $0x80, s19, s10, $0xb8;
	[tilespmem:$0x18000] =	vst v63  }
0x1e: {  	_ =	swait.ge [sflag:s15], $0x8000  }
0x1f: {  	[sflag:s15] =	ssyncset.done $0x0  }
0x20: {  	s18 =	sadd.s32 $0x1000, s18;
	[sflag:s15] =	ssyncadd.s32 $0xFFFF8000  }
0x21: {  	[hbm4b:s18+s2] =	stream.linear.scatter [tilespmem:s12], [sflag:$0x4], $0x8000, $0x38;
	[tilespmem:$0x18000] =	vst v63  }
0x22: {  	_ =	swait.ge [sflag:s16], $0x8000  }
0x23: {  	s20 =	simm.s32 $0x500;
	[sflag:s16] =	ssyncset.done $0x0  }
0x24: {  	s19 =	simm.s32 $0x2000;
	s18 =	simm.s32 $0x300;
	[sflag:s16] =	ssyncadd.s32 $0xFFFF8000  }
.LBB2_2:
0x25: {  	[tilespmem:s12], [sflag:$0x2] =	stream.indirect.gather [hbm4b:s3+s10], $0x80, s18, s10, $0xb8;
	[tilespmem:$0x18000] =	vst v63  }
0x26: {  	s21 =	smov.u32 s19;
	s18 =	smov.u32 s20  }
0x27: {  	p0 =	sne.s32 s19, $0x7C000;
	s19 =	sadd.s32 $0x2000, s19;
	_ =	swait.ge [sflag:s13], $0x8000  }
0x28: {  	[sflag:s13] =	ssyncset.done $0x0  }
0x29: {  	s21 =	sadd.s32 s21, s8;
	[sflag:s13] =	ssyncadd.s32 $0xFFFF8000  }
0x2a: {  	[hbm4b:s21+s2] =	stream.linear.scatter [tilespmem:s11], [sflag:$0x3], $0x8000, $0x38;
	[tilespmem:$0x18000] =	vst v63  }
0x2b: {  	_ =	swait.ge [sflag:s14], $0x8000  }
0x2c: {  	[sflag:s14] =	ssyncset.done $0x0  }
0x2d: {  	s22 =	sadd.s32 $0xFFFFFF00, s20;
	[sflag:s14] =	ssyncadd.s32 $0xFFFF8000  }
0x2e: {  	[tilespmem:s11], [sflag:$0x1] =	stream.indirect.gather [hbm4b:s3+s10], $0x80, s22, s10, $0xb8;
	[tilespmem:$0x18000] =	vst v63  }
0x2f: {  	_ =	swait.ge [sflag:s15], $0x8000  }
0x30: {  	[sflag:s15] =	ssyncset.done $0x0  }
.Ltmp0:
0x31: {  	s21 =	sadd.s32 $0x1000, s21;
	[sflag:s15] =	ssyncadd.s32 $0xFFFF8000;
	(pc) =	sbr.rel @p0 .LBB2_2-.Ltmp0, $4  }
0x32: {  	[hbm4b:s21+s2] =	stream.linear.scatter [tilespmem:s12], [sflag:$0x4], $0x8000, $0x38;
	[tilespmem:$0x18000] =	vst v63  }
0x33: {  	_ =	swait.ge [sflag:s16], $0x8000  }
0x34: {  	[sflag:s16] =	ssyncset.done $0x0  }
0x35: {  	s20 =	sadd.s32 $0x200, s20;
	[sflag:s16] =	ssyncadd.s32 $0xFFFF8000  }
0x36: {  	[tilespmem:s12], [sflag:$0x2] =	stream.indirect.gather [hbm4b:s3+s10], $0x80, s18, s10, $0xb8;
	[tilespmem:$0x18000] =	vst v63  }
0x37: {  	_ =	swait.ge [sflag:s13], $0x8000  }
0x38: {  	[sflag:s13] =	ssyncset.done $0x0  }
0x39: {  	[sflag:s13] =	ssyncadd.s32 $0xFFFF8000  }
0x3a: {  	[hbm4b:s5+s2] =	stream.linear.scatter [tilespmem:s11], [sflag:$0x3], $0x8000, $0x38;
	[tilespmem:$0x18000] =	vst v63  }
0x3b: {  	_ =	swait.ge [sflag:s14], $0x8000  }
0x3c: {  	[sflag:s14] =	ssyncset.done $0x0  }
0x3d: {  	[sflag:s14] =	ssyncadd.s32 $0xFFFF8000  }
0x3e: {  	s17 =	sadd.s32 $0x1, s17;
	_ =	swait.ge [sflag:s15], $0x8000  }
0x3f: {  	p0 =	sne.s32 s17, s7;
	[sflag:s15] =	ssyncset.done $0x0  }
.Ltmp1:
0x40: {  	[sflag:s15] =	ssyncadd.s32 $0xFFFF8000;
	(pc) =	sbr.rel @p0 .LBB2_1-.Ltmp1, $4  }
0x41: {  	[hbm4b:s6+s2] =	stream.linear.scatter [tilespmem:s12], [sflag:$0x4], $0x8000, $0x38;
	[tilespmem:$0x18000] =	vst v63  }
0x42: {  	_ =	swait.ge [sflag:s16], $0x8000  }
0x43: {  	[sflag:s16] =	ssyncset.done $0x0  }
0x44: {  	[sflag:s16] =	ssyncadd.s32 $0xFFFF8000  }
0x45: {  	_ =	sfence.sel $0x180000  }
0x46: {  	[bflag:$0x0] =	sbarrier.arrive $0xFFFF  }
0x47: {  	p0 =	sne.s32 s1, $0x0;
	_ =	strace $0x90000047  }
0x48: {  	s0 =	sadd.s32 @!p0 $0x100000, s0;
	[bflag:$0x2] =	sbarrier.arrive $0xFFFF  }
0x49: {  	[sflag:s0] =	ssyncadd.tile.s32 @!p0 $0x1;
	_ =	shalt  }
.Lfunc_end2:
_tile_overlayer_lowered:
.L_overlay_start_2:
0x4a: {  	(tag) =	ssettag $0x2  }
0x4b: {  	s0 =	rddreg [dreg:$0x0];
	s2 =	stileid.u32  }
0x4c: {  	s1 =	rddreg [dreg:$0x1];
	p0 =	sne.s32 s2, $0x0  }
0x4d: {  	s3 =	rddreg [dreg:$0x2];
	[bflag:$0x3] =	sbarrier.arrive $0xFFFF;
	s2 =	simm.s32 @!p0 $0x1C06  }
0x4e: {  	[timem:s3], [sflag:s2] =	dma.local @!p0 [hbm:s0], s1  }
0x4f: {  	s0 =	simm.s32 @!p0 $0x6  }
0x50: {  	_ =	swait.ge @!p0 [sflag:s0], s1  }
0x51: {  	s1 =	ssub.s32 @!p0 $0x0, s1;
	[sflag:s0] =	ssyncset.done @!p0 $0x0  }
0x52: {  	[sflag:s0] =	ssyncadd.s32 @!p0 s1  }
0x53: {  	[bflag:$0x3] =	sbarrier.arrive $0xFFFF  }
0x54: {  	_ =	shalt  }

</sc_bundles>
